<compile_context>
chip_gen: v7x
topology: tpu7x:2x2x1
jax: 0.10.2.dev20260603
libtpu: 0.0.44.dev20260713+nightly
codegen_flags: <defaults>
</compile_context>

<pallas_src>
import functools

import jax
import jax.numpy as jnp
from jax.experimental import pallas as pl
from jax.experimental.pallas import tpu as pltpu
from jax.experimental.pallas import tpu_sc as plsc

_ROWS = 16384
_NC, _NS, _L = 2, 16, 16
_NW = _NC * _NS
_RPW = _ROWS // _NW


@functools.partial(
    pl.kernel,
    out_type=jax.ShapeDtypeStruct((_ROWS,), jnp.float32),
    mesh=plsc.VectorSubcoreMesh(core_axis_name="c", subcore_axis_name="s"),
    scratch_types=[
        pltpu.VMEM((_RPW,), jnp.float32),
    ],
    compiler_params=pltpu.CompilerParams(needs_layout_passes=False),
)
def _probe(x_hbm, out_hbm, buf_v):
    wid = jax.lax.axis_index("s") * _NC + jax.lax.axis_index("c")
    base = wid * _RPW
    zero = jnp.zeros((_L,), jnp.float32)
    for k in range(_RPW // _L):
        buf_v[pl.ds(k * _L, _L)] = zero
    pltpu.sync_copy(buf_v, out_hbm.at[pl.ds(base, _RPW)])


def kernel(x):
    return _probe(x)[:, None]

# --- scband reference (transcript-rebuilt; emitter-appended) ---
"""Pipeline reference for scband-literal-node-module-9010841387465 (READ-ONLY COPY).

The authoritative reference and input builder live on the scoring server;
editing this copy changes nothing except your own understanding.
"""

import jax, jax.numpy as jnp
import numpy as np

LITERAL_INDEX = 37
NEGATED = True

def setup_inputs(seed: int = 0) -> dict:
    key = jax.random.key(seed)
    x = jax.random.normal(key, (16384, 100), dtype=jnp.float32)
    return {"x": x}

def reference(x):
    col = x[:, LITERAL_INDEX][:, None]
    return col * (-1 if NEGATED else 1)

if __name__ == "__main__":
    import jax
    _d = setup_inputs()
    print(jax.jit(kernel)(*tuple(_d.values())))

</pallas_src>

<mosaic_0001>
#map = affine_map<(d0, d1) -> (0, 0)>
#map1 = affine_map<(d0, d1) -> (0)>
module attributes {stable_mosaic.version = 14 : i64} {
  func.func @_probe(%arg0: i32, %arg1: i32, %arg2: memref<16384x100xf32, #tpu.memory_space<hbm>>, %arg3: memref<16384xf32, #tpu.memory_space<hbm>>, %arg4: memref<512xf32, #tpu.memory_space<vmem>>) attributes {dimension_semantics = [#tpu.dimension_semantics<core_parallel>, #tpu.dimension_semantics<subcore_parallel>], iteration_bounds = array<i64: 2, 16>, scalar_prefetch = 0 : i64, scratch_operands = 1 : i64, tpu.core_type = #tpu.core_type<sc_vector_subcore>, window_params = [{transform_indices = #map}, {transform_indices = #map1}]} {
    %mul3A = arith.constant 2 : i32
    %mul3A_0 = arith.muli %arg1, %mul3A : i32
    %add3A = arith.addi %mul3A_0, %arg0 : i32
    %mul3A_1 = arith.constant 512 : i32
    %mul3A_2 = arith.muli %add3A, %mul3A_1 : i32
    %broadcast_in_dim3A = arith.constant 0.000000e+00 : f32
    %broadcast_in_dim3A_3 = vector.broadcast %broadcast_in_dim3A : f32 to vector<16xf32>
    %swap3A = arith.constant 0 : index
    %swap3A_4 = tpu.vector_load %arg4[%swap3A] {strides = array<i32>} : memref<512xf32, #tpu.memory_space<vmem>>, vector<16xf32>,
    tpu.vector_store %arg4[%swap3A], %broadcast_in_dim3A_3 {strides = array<i32>} : memref<512xf32, #tpu.memory_space<vmem>>, vector<16xf32>,
    %swap3A_5 = arith.constant 16 : index
    %swap3A_6 = tpu.vector_load %arg4[%swap3A_5] {strides = array<i32>} : memref<512xf32, #tpu.memory_space<vmem>>, vector<16xf32>,
    tpu.vector_store %arg4[%swap3A_5], %broadcast_in_dim3A_3 {strides = array<i32>} : memref<512xf32, #tpu.memory_space<vmem>>, vector<16xf32>,
    %swap3A_7 = arith.constant 32 : index
    %swap3A_8 = tpu.vector_load %arg4[%swap3A_7] {strides = array<i32>} : memref<512xf32, #tpu.memory_space<vmem>>, vector<16xf32>,
    tpu.vector_store %arg4[%swap3A_7], %broadcast_in_dim3A_3 {strides = array<i32>} : memref<512xf32, #tpu.memory_space<vmem>>, vector<16xf32>,
    %swap3A_9 = arith.constant 48 : index
    %swap3A_10 = tpu.vector_load %arg4[%swap3A_9] {strides = array<i32>} : memref<512xf32, #tpu.memory_space<vmem>>, vector<16xf32>,
    tpu.vector_store %arg4[%swap3A_9], %broadcast_in_dim3A_3 {strides = array<i32>} : memref<512xf32, #tpu.memory_space<vmem>>, vector<16xf32>,
    %swap3A_11 = arith.constant 64 : index
    %swap3A_12 = tpu.vector_load %arg4[%swap3A_11] {strides = array<i32>} : memref<512xf32, #tpu.memory_space<vmem>>, vector<16xf32>,
    tpu.vector_store %arg4[%swap3A_11], %broadcast_in_dim3A_3 {strides = array<i32>} : memref<512xf32, #tpu.memory_space<vmem>>, vector<16xf32>,
    %swap3A_13 = arith.constant 80 : index
    %swap3A_14 = tpu.vector_load %arg4[%swap3A_13] {strides = array<i32>} : memref<512xf32, #tpu.memory_space<vmem>>, vector<16xf32>,
    tpu.vector_store %arg4[%swap3A_13], %broadcast_in_dim3A_3 {strides = array<i32>} : memref<512xf32, #tpu.memory_space<vmem>>, vector<16xf32>,
    %swap3A_15 = arith.constant 96 : index
    %swap3A_16 = tpu.vector_load %arg4[%swap3A_15] {strides = array<i32>} : memref<512xf32, #tpu.memory_space<vmem>>, vector<16xf32>,
    tpu.vector_store %arg4[%swap3A_15], %broadcast_in_dim3A_3 {strides = array<i32>} : memref<512xf32, #tpu.memory_space<vmem>>, vector<16xf32>,
    %swap3A_17 = arith.constant 112 : index
    %swap3A_18 = tpu.vector_load %arg4[%swap3A_17] {strides = array<i32>} : memref<512xf32, #tpu.memory_space<vmem>>, vector<16xf32>,
    tpu.vector_store %arg4[%swap3A_17], %broadcast_in_dim3A_3 {strides = array<i32>} : memref<512xf32, #tpu.memory_space<vmem>>, vector<16xf32>,
    %swap3A_19 = arith.constant 128 : index
    %swap3A_20 = tpu.vector_load %arg4[%swap3A_19] {strides = array<i32>} : memref<512xf32, #tpu.memory_space<vmem>>, vector<16xf32>,
    tpu.vector_store %arg4[%swap3A_19], %broadcast_in_dim3A_3 {strides = array<i32>} : memref<512xf32, #tpu.memory_space<vmem>>, vector<16xf32>,
    %swap3A_21 = arith.constant 144 : index
    %swap3A_22 = tpu.vector_load %arg4[%swap3A_21] {strides = array<i32>} : memref<512xf32, #tpu.memory_space<vmem>>, vector<16xf32>,
    tpu.vector_store %arg4[%swap3A_21], %broadcast_in_dim3A_3 {strides = array<i32>} : memref<512xf32, #tpu.memory_space<vmem>>, vector<16xf32>,
    %swap3A_23 = arith.constant 160 : index
    %swap3A_24 = tpu.vector_load %arg4[%swap3A_23] {strides = array<i32>} : memref<512xf32, #tpu.memory_space<vmem>>, vector<16xf32>,
    tpu.vector_store %arg4[%swap3A_23], %broadcast_in_dim3A_3 {strides = array<i32>} : memref<512xf32, #tpu.memory_space<vmem>>, vector<16xf32>,
    %swap3A_25 = arith.constant 176 : index
    %swap3A_26 = tpu.vector_load %arg4[%swap3A_25] {strides = array<i32>} : memref<512xf32, #tpu.memory_space<vmem>>, vector<16xf32>,
    tpu.vector_store %arg4[%swap3A_25], %broadcast_in_dim3A_3 {strides = array<i32>} : memref<512xf32, #tpu.memory_space<vmem>>, vector<16xf32>,
    %swap3A_27 = arith.constant 192 : index
    %swap3A_28 = tpu.vector_load %arg4[%swap3A_27] {strides = array<i32>} : memref<512xf32, #tpu.memory_space<vmem>>, vector<16xf32>,
    tpu.vector_store %arg4[%swap3A_27], %broadcast_in_dim3A_3 {strides = array<i32>} : memref<512xf32, #tpu.memory_space<vmem>>, vector<16xf32>,
    %swap3A_29 = arith.constant 208 : index
    %swap3A_30 = tpu.vector_load %arg4[%swap3A_29] {strides = array<i32>} : memref<512xf32, #tpu.memory_space<vmem>>, vector<16xf32>,
    tpu.vector_store %arg4[%swap3A_29], %broadcast_in_dim3A_3 {strides = array<i32>} : memref<512xf32, #tpu.memory_space<vmem>>, vector<16xf32>,
    %swap3A_31 = arith.constant 224 : index
    %swap3A_32 = tpu.vector_load %arg4[%swap3A_31] {strides = array<i32>} : memref<512xf32, #tpu.memory_space<vmem>>, vector<16xf32>,
    tpu.vector_store %arg4[%swap3A_31], %broadcast_in_dim3A_3 {strides = array<i32>} : memref<512xf32, #tpu.memory_space<vmem>>, vector<16xf32>,
    %swap3A_33 = arith.constant 240 : index
    %swap3A_34 = tpu.vector_load %arg4[%swap3A_33] {strides = array<i32>} : memref<512xf32, #tpu.memory_space<vmem>>, vector<16xf32>,
    tpu.vector_store %arg4[%swap3A_33], %broadcast_in_dim3A_3 {strides = array<i32>} : memref<512xf32, #tpu.memory_space<vmem>>, vector<16xf32>,
    %swap3A_35 = arith.constant 256 : index
    %swap3A_36 = tpu.vector_load %arg4[%swap3A_35] {strides = array<i32>} : memref<512xf32, #tpu.memory_space<vmem>>, vector<16xf32>,
    tpu.vector_store %arg4[%swap3A_35], %broadcast_in_dim3A_3 {strides = array<i32>} : memref<512xf32, #tpu.memory_space<vmem>>, vector<16xf32>,
    %swap3A_37 = arith.constant 272 : index
    %swap3A_38 = tpu.vector_load %arg4[%swap3A_37] {strides = array<i32>} : memref<512xf32, #tpu.memory_space<vmem>>, vector<16xf32>,
    tpu.vector_store %arg4[%swap3A_37], %broadcast_in_dim3A_3 {strides = array<i32>} : memref<512xf32, #tpu.memory_space<vmem>>, vector<16xf32>,
    %swap3A_39 = arith.constant 288 : index
    %swap3A_40 = tpu.vector_load %arg4[%swap3A_39] {strides = array<i32>} : memref<512xf32, #tpu.memory_space<vmem>>, vector<16xf32>,
    tpu.vector_store %arg4[%swap3A_39], %broadcast_in_dim3A_3 {strides = array<i32>} : memref<512xf32, #tpu.memory_space<vmem>>, vector<16xf32>,
    %swap3A_41 = arith.constant 304 : index
    %swap3A_42 = tpu.vector_load %arg4[%swap3A_41] {strides = array<i32>} : memref<512xf32, #tpu.memory_space<vmem>>, vector<16xf32>,
    tpu.vector_store %arg4[%swap3A_41], %broadcast_in_dim3A_3 {strides = array<i32>} : memref<512xf32, #tpu.memory_space<vmem>>, vector<16xf32>,
    %swap3A_43 = arith.constant 320 : index
    %swap3A_44 = tpu.vector_load %arg4[%swap3A_43] {strides = array<i32>} : memref<512xf32, #tpu.memory_space<vmem>>, vector<16xf32>,
    tpu.vector_store %arg4[%swap3A_43], %broadcast_in_dim3A_3 {strides = array<i32>} : memref<512xf32, #tpu.memory_space<vmem>>, vector<16xf32>,
    %swap3A_45 = arith.constant 336 : index
    %swap3A_46 = tpu.vector_load %arg4[%swap3A_45] {strides = array<i32>} : memref<512xf32, #tpu.memory_space<vmem>>, vector<16xf32>,
    tpu.vector_store %arg4[%swap3A_45], %broadcast_in_dim3A_3 {strides = array<i32>} : memref<512xf32, #tpu.memory_space<vmem>>, vector<16xf32>,
    %swap3A_47 = arith.constant 352 : index
    %swap3A_48 = tpu.vector_load %arg4[%swap3A_47] {strides = array<i32>} : memref<512xf32, #tpu.memory_space<vmem>>, vector<16xf32>,
    tpu.vector_store %arg4[%swap3A_47], %broadcast_in_dim3A_3 {strides = array<i32>} : memref<512xf32, #tpu.memory_space<vmem>>, vector<16xf32>,
    %swap3A_49 = arith.constant 368 : index
    %swap3A_50 = tpu.vector_load %arg4[%swap3A_49] {strides = array<i32>} : memref<512xf32, #tpu.memory_space<vmem>>, vector<16xf32>,
    tpu.vector_store %arg4[%swap3A_49], %broadcast_in_dim3A_3 {strides = array<i32>} : memref<512xf32, #tpu.memory_space<vmem>>, vector<16xf32>,
    %swap3A_51 = arith.constant 384 : index
    %swap3A_52 = tpu.vector_load %arg4[%swap3A_51] {strides = array<i32>} : memref<512xf32, #tpu.memory_space<vmem>>, vector<16xf32>,
    tpu.vector_store %arg4[%swap3A_51], %broadcast_in_dim3A_3 {strides = array<i32>} : memref<512xf32, #tpu.memory_space<vmem>>, vector<16xf32>,
    %swap3A_53 = arith.constant 400 : index
    %swap3A_54 = tpu.vector_load %arg4[%swap3A_53] {strides = array<i32>} : memref<512xf32, #tpu.memory_space<vmem>>, vector<16xf32>,
    tpu.vector_store %arg4[%swap3A_53], %broadcast_in_dim3A_3 {strides = array<i32>} : memref<512xf32, #tpu.memory_space<vmem>>, vector<16xf32>,
    %swap3A_55 = arith.constant 416 : index
    %swap3A_56 = tpu.vector_load %arg4[%swap3A_55] {strides = array<i32>} : memref<512xf32, #tpu.memory_space<vmem>>, vector<16xf32>,
    tpu.vector_store %arg4[%swap3A_55], %broadcast_in_dim3A_3 {strides = array<i32>} : memref<512xf32, #tpu.memory_space<vmem>>, vector<16xf32>,
    %swap3A_57 = arith.constant 432 : index
    %swap3A_58 = tpu.vector_load %arg4[%swap3A_57] {strides = array<i32>} : memref<512xf32, #tpu.memory_space<vmem>>, vector<16xf32>,
    tpu.vector_store %arg4[%swap3A_57], %broadcast_in_dim3A_3 {strides = array<i32>} : memref<512xf32, #tpu.memory_space<vmem>>, vector<16xf32>,
    %swap3A_59 = arith.constant 448 : index
    %swap3A_60 = tpu.vector_load %arg4[%swap3A_59] {strides = array<i32>} : memref<512xf32, #tpu.memory_space<vmem>>, vector<16xf32>,
    tpu.vector_store %arg4[%swap3A_59], %broadcast_in_dim3A_3 {strides = array<i32>} : memref<512xf32, #tpu.memory_space<vmem>>, vector<16xf32>,
    %swap3A_61 = arith.constant 464 : index
    %swap3A_62 = tpu.vector_load %arg4[%swap3A_61] {strides = array<i32>} : memref<512xf32, #tpu.memory_space<vmem>>, vector<16xf32>,
    tpu.vector_store %arg4[%swap3A_61], %broadcast_in_dim3A_3 {strides = array<i32>} : memref<512xf32, #tpu.memory_space<vmem>>, vector<16xf32>,
    %swap3A_63 = arith.constant 480 : index
    %swap3A_64 = tpu.vector_load %arg4[%swap3A_63] {strides = array<i32>} : memref<512xf32, #tpu.memory_space<vmem>>, vector<16xf32>,
    tpu.vector_store %arg4[%swap3A_63], %broadcast_in_dim3A_3 {strides = array<i32>} : memref<512xf32, #tpu.memory_space<vmem>>, vector<16xf32>,
    %swap3A_65 = arith.constant 496 : index
    %swap3A_66 = tpu.vector_load %arg4[%swap3A_65] {strides = array<i32>} : memref<512xf32, #tpu.memory_space<vmem>>, vector<16xf32>,
    tpu.vector_store %arg4[%swap3A_65], %broadcast_in_dim3A_3 {strides = array<i32>} : memref<512xf32, #tpu.memory_space<vmem>>, vector<16xf32>,
    "tpu.region"() ({
      %run_scoped3A = tpu.sem_alloc : memref<!tpu.dma_semaphore, #tpu.memory_space<semaphore_mem>>
      %dma_start3A = tpu.memref_slice %arg3[%mul3A_2] : memref<16384xf32, #tpu.memory_space<hbm>> -> memref<512xf32, #tpu.memory_space<hbm>>
      %dma_start3A_67 = tpu.memref_slice %arg3[%mul3A_2] : memref<16384xf32, #tpu.memory_space<hbm>> -> memref<512xf32, #tpu.memory_space<hbm>>
      tpu.enqueue_dma source(%arg4 : memref<512xf32, #tpu.memory_space<vmem>>) target(%dma_start3A_67 : memref<512xf32, #tpu.memory_space<hbm>>) target_semaphore(%run_scoped3A : memref<!tpu.dma_semaphore, #tpu.memory_space<semaphore_mem>>)
      %dma_wait3A = tpu.memref_slice %arg3[%mul3A_2] : memref<16384xf32, #tpu.memory_space<hbm>> -> memref<512xf32, #tpu.memory_space<hbm>>
      %dma_wait3A_68 = tpu.memref_slice %arg3[%mul3A_2] : memref<16384xf32, #tpu.memory_space<hbm>> -> memref<512xf32, #tpu.memory_space<hbm>>
      tpu.wait_dma2 semaphore(%run_scoped3A : memref<!tpu.dma_semaphore, #tpu.memory_space<semaphore_mem>>) src(%arg4 : memref<512xf32, #tpu.memory_space<vmem>>) dst(%dma_wait3A_68 : memref<512xf32, #tpu.memory_space<hbm>>)
      tpu.yield
    }) : () -> ()
    return
  }
}

</mosaic_0001>

<sc_bundles>
// kernel: kernel.3.cloned.1.call-start
scs
__scs_entry_jumppad:
0x0: {  	(pc) =	sbr.rel $0x88, $3  }
0x1: {  	(tag) =	ssettag $0x0;
	lr =	simm.s32 $0x1  }
0x2: {  	[smem:$0x3FA0] =	sst lr;
	_ =	strace $0xD0000000  }
0x3: {  	_ = 	snop  }
0x4: {  	_ = 	snop  }
0x5: {  	_ = 	snop  }
0x6: {  	_ = 	snop  }
0x7: {  	_ = 	snop  }
__scs_overlays_trampoline_lowered:
0x8: {  	[smem:$0x3FAF] =	sst s0  }
0x9: {  	[smem:$0x3FB0] =	sst s1  }
0xa: {  	[smem:$0x3FB1] =	sst s2  }
0xb: {  	[smem:$0x3FB2] =	sst s3  }
0xc: {  	[smem:$0x3FB3] =	sst s4  }
0xd: {  	[smem:$0x3FB4] =	sst s5  }
0xe: {  	[smem:$0x3FB5] =	sst s6  }
0xf: {  	[smem:$0x3FB6] =	sst s7  }
0x10: {  	[smem:$0x3FB7] =	sst s8  }
0x11: {  	[smem:$0x3FB8] =	sst s9;
	s0 =	simm.s32 @!p0 $0x0  }
0x12: {  	s1 =	sld [smem:$0x3F9E];
	s0 =	simm.s32 @p0 $0x1  }
0x13: {  	[smem:$0x3FB9] =	sst s0;
	s0 =	simm.s32 @!p1 $0x0  }
0x14: {  	s2 =	sld [smem:$0x3F9D];
	s0 =	simm.s32 @p1 $0x1  }
0x15: {  	[smem:$0x3FBA] =	sst s0;
	s0 =	simm.s32 @!p2 $0x0  }
0x16: {  	s3 =	sld [smem:$0x3FDB];
	s0 =	simm.s32 @p2 $0x1  }
0x17: {  	s4 =	simm.s32 $0x1BF5;
	[smem:$0x3FBC] =	sst s0  }
0x18: {  	s0 =	sld [smem:$0x3F9F];
	_ =	swait.ge [sflag:s4], $0x0  }
0x19: {  	s7 =	sld [smem:$0x3FA0]  }
0x1a: {  	s8 =	sadd.s32 $0xFFFFE003, lr  }
0x1b: {  	s9 =	sadd.s32 $0xFFFFFEF7, lr;
	s5 =	simm.s32 $0xFFFFFFFF;
	p2 =	slt.u32 s8, $0xFFFFF086  }
0x1c: {  	p1 =	slt.u32 s9, $0xF7A;
	s5 =	simm.s32 @!p2 $0x0  }
0x1d: {  	s5 =	simm.s32 @p1 $0x1;
	p0 =	seq.s32 s7, s2  }
0x1e: {  	s7 =	smul.u32 @!p0 $0xF7A, s2;
	p2 =	seq.s32 @!p0 s5, $0x0  }
0x1f: {  	s9 =	smul.u32 $0xF7A, s1;
	s8 =	simm.s32 @!p0 $0x1BF5;
	p2 =	por !p2, p0  }
0x20: {  	[sflag:s8] =	ssyncset.s32 @!p0 $0xFFFFF086;
	s6 =	sadd.s32 @!p0 s3, s7;
	s7 =	simm.s32 @!p0 $0x108  }
0x21: {  	s3 =	sadd.s32 s3, s9;
	s6 =	sadd.s32 @!p0 $0x88, s6;
	s7 =	simm.s32 @p2 $0x1082  }
0x22: {  	[simem:s7], [sflag:s8] =	dma.local @!p0 [hbm:s6], $0xF7A  }
0x23: {  	s9 =	sor.u32 $0xD0000000, s2;
	s6 =	simm.s32 $0x108;
	_ =	swait.ge @!p0 [sflag:s8], $0x0  }
0x24: {  	s3 =	sadd.s32 $0x88, s3;
	s6 =	simm.s32 @!p1 $0x1082;
	[sflag:s4] =	ssyncset.s32 $0xFFFFF086  }
0x25: {  	[simem:s6], [sflag:s4] =	dma.local [hbm:s3], $0xF7A  }
0x26: {  	[smem:$0x3FA0] =	sst s1;
	(tag) =	ssettag s2;
	_ =	strace s9  }
0x27: {  	s1 =	sld [smem:$0x3FB0]  }
0x28: {  	s2 =	sld [smem:$0x3FB1]  }
0x29: {  	s4 =	sld [smem:$0x3FB3]  }
0x2a: {  	p0 =	seq.s32 s5, $0x0;
	s5 =	sld [smem:$0x3FB4]  }
0x2b: {  	s6 =	sld [smem:$0x3FB5]  }
0x2c: {  	s7 =	sld [smem:$0x3FB6]  }
0x2d: {  	s3 =	simm.s32 $0x108;
	s8 =	sld [smem:$0x3FB7]  }
0x2e: {  	s3 =	simm.s32 @!p0 $0x1082;
	s9 =	sld [smem:$0x3FB8]  }
0x2f: {  	lr =	sadd.s32 s0, s3;
	s0 =	sld [smem:$0x3FAF]  }
0x30: {  	s3 =	sld [smem:$0x3FB2]  }
0x31: {  	[smem:$0x3FBB] =	sst s10  }
0x32: {  	s10 =	sld [smem:$0x3FB9];
	_ =	sdelay $0x3  }
0x33: {  	p0 =	seq.s32 s10, $0x1;
	s10 =	sld [smem:$0x3FBB];
	_ =	sdelay $0x3  }
0x34: {  	[smem:$0x3FBB] =	sst s10  }
0x35: {  	s10 =	sld [smem:$0x3FBA];
	_ =	sdelay $0x3  }
0x36: {  	p1 =	seq.s32 s10, $0x1;
	s10 =	sld [smem:$0x3FBB];
	_ =	sdelay $0x3  }
0x37: {  	[smem:$0x3FBB] =	sst s10  }
0x38: {  	s10 =	sld [smem:$0x3FBC]  }
0x39: {  	_ = 	snop;
	(pc) =	sbr.ind lr, $3  }
0x3a: {  	_ = 	snop  }
0x3b: {  	_ = 	snop  }
0x3c: {  	p2 =	seq.s32 s10, $0x1;
	s10 =	sld [smem:$0x3FBB]  }
0x3d: {  	_ =	shalt  }
0x3e: {  	_ =	shalt  }
0x3f: {  	_ =	shalt  }
0x40: {  	_ =	shalt  }
0x41: {  	_ =	shalt  }
0x42: {  	_ =	shalt  }
0x43: {  	_ =	shalt  }
0x44: {  	_ =	shalt  }
0x45: {  	_ =	shalt  }
0x46: {  	_ =	shalt  }
0x47: {  	_ =	shalt  }
0x48: {  	_ =	shalt  }
0x49: {  	_ =	shalt  }
0x4a: {  	_ =	shalt  }
0x4b: {  	_ =	shalt  }
0x4c: {  	_ =	shalt  }
0x4d: {  	_ =	shalt  }
0x4e: {  	_ =	shalt  }
0x4f: {  	_ =	shalt  }
0x50: {  	_ =	shalt  }
0x51: {  	_ =	shalt  }
0x52: {  	_ =	shalt  }
0x53: {  	_ =	shalt  }
0x54: {  	_ =	shalt  }
0x55: {  	_ =	shalt  }
0x56: {  	_ =	shalt  }
0x57: {  	_ =	shalt  }
0x58: {  	_ =	shalt  }
0x59: {  	_ =	shalt  }
0x5a: {  	_ =	shalt  }
0x5b: {  	_ =	shalt  }
0x5c: {  	_ =	shalt  }
0x5d: {  	_ =	shalt  }
0x5e: {  	_ =	shalt  }
0x5f: {  	_ =	shalt  }
0x60: {  	_ =	shalt  }
0x61: {  	_ =	shalt  }
0x62: {  	_ =	shalt  }
0x63: {  	_ =	shalt  }
0x64: {  	_ =	shalt  }
0x65: {  	_ =	shalt  }
0x66: {  	_ =	shalt  }
0x67: {  	_ =	shalt  }
0x68: {  	_ =	shalt  }
0x69: {  	_ =	shalt  }
0x6a: {  	_ =	shalt  }
0x6b: {  	_ =	shalt  }
0x6c: {  	_ =	shalt  }
0x6d: {  	_ =	shalt  }
0x6e: {  	_ =	shalt  }
0x6f: {  	_ =	shalt  }
0x70: {  	_ =	shalt  }
0x71: {  	_ =	shalt  }
0x72: {  	_ =	shalt  }
0x73: {  	_ =	shalt  }
0x74: {  	_ =	shalt  }
0x75: {  	_ =	shalt  }
0x76: {  	_ =	shalt  }
0x77: {  	_ =	shalt  }
0x78: {  	_ =	shalt  }
0x79: {  	_ =	shalt  }
0x7a: {  	_ =	shalt  }
0x7b: {  	_ =	shalt  }
0x7c: {  	_ =	shalt  }
0x7d: {  	_ =	shalt  }
0x7e: {  	_ =	shalt  }
0x7f: {  	_ =	shalt  }
0x80: {  	_ =	shalt  }
0x81: {  	_ =	shalt  }
0x82: {  	_ =	shalt  }
0x83: {  	_ =	shalt  }
0x84: {  	_ =	shalt  }
0x85: {  	_ =	shalt  }
0x86: {  	_ =	shalt  }
0x87: {  	_ =	shalt  }
.Lfunc_end0:
.L_simem_size_0:
called_computation_lowered:
.L_overlay_start_0:
0x88: {  	s2 =	sld [smem:$0x3FD9]  }
0x89: {  	s3 =	sld [smem:$0x3FFE];
	_ =	sdelay $0x1  }
0x8a: {  	s1 =	srdreg.scid  }
0x8b: {  	s0 =	sand.u32 $0x1, s1  }
0x8c: {  	s18 =	sshll.u32 s0, $0xA;
	s2 =	sadd.s32 s3, s2  }
0x8d: {  	s2 =	sadd.s32 s2, s18  }
0x8e: {  	[smem:$0x3FC7] =	sst s2  }
0x8f: {  	_ = 	snop  }
0x90: {  	s2 =	sld [smem:$0x3FD0];
	(tm) =	ssettm $0x1  }
0x91: {  	s19 =	sld [smem:$0x3FFB];
	_ =	sdelay $0x3  }
0x92: {  	_ =	strace s19  }
0x93: {  	s3 =	sld [smem:$0x3FFC];
	_ =	sdelay $0x3  }
0x94: {  	_ =	strace s3  }
0x95: {  	s3 =	sld [smem:$0x3FFD];
	_ =	sdelay $0x3  }
0x96: {  	_ =	strace s3  }
0x97: {  	_ =	strace $0x8FFFFFFF  }
0x98: {  	s20 =	sld [smem:$0x3FDB];
	_ =	sdelay $0x1  }
0x99: {  	s4 =	simm.s32 $_scs_section_size  }
0x9a: {  	s5 =	simm.s32 $_size__tile_overlayer_lowered;
	s6 =	simm.s32 $_tile_overlayer_lowered  }
0x9b: {  	s23 =	simm.s32 $0x1BFF;
	s22 =	sshll.u32 s6, $0x1;
	s3 =	sadd.s32 s4, s20  }
0x9c: {  	s7 =	simm.s32 $0x0;
	s21 =	sshll.u32 s5, $0x1;
	s5 =	sadd.s32 s22, s3  }
0x9d: {  	[timem:s7], [sflag:s23] =	dma.local [hbm:s5], s21  }
0x9e: {  	_ =	swait.ge [sflag:s23], s21  }
0x9f: {  	s4 =	ssub.s32 $0x0, s21;
	[sflag:s23] =	ssyncset.done $0x0  }
0xa0: {  	[sflag:s23] =	ssyncadd.s32 s4;
	_ =	sdelay $0x1  }
0xa1: {  	s24 =	simm.s32 $0x1B8B  }
0xa2: {  	_ =	swait.ge [sflag:s24], $0x1  }
0xa3: {  	[sflag:s24] =	ssyncset.done $0x0  }
0xa4: {  	s25 =	simm.s32 $0x1B8E;
	[sflag:s24] =	ssyncadd.s32 $0xFFFFFFFF  }
0xa5: {  	s26 =	simm.s32 $execute0_lowered;
	[smem:$0x3FD2] =	sst s25  }
0xa6: {  	s4 =	sshll.u32 s26, $0x1;
	_ =	strace $0x80000046;
	[dreg:$0x1] =	wrdreg $0xFFFFFFFF  }
0xa7: {  	s28 =	simm.s32 $_size_execute0_lowered;
	s3 =	sadd.s32 s3, s4;
	[dreg:$0x0] =	wrdreg $0x0  }
0xa8: {  	s4 =	sshll.u32 s28, $0x1;
	[dreg:$0x2] =	wrdreg s3  }
0xa9: {  	[dreg:$0x3] =	wrdreg s4  }
0xaa: {  	[dreg:$0x4] =	wrdreg $0xC0  }
0xab: {  	_ =	task [dreg:s7], $0x5FFFF  }
0xac: {  	[dreg:$0x1] =	wrdreg $0xFFFFFFFF  }
0xad: {  	[dreg:$0x0] =	wrdreg $0x60  }
0xae: {  	[dreg:$0x2] =	wrdreg s2  }
0xaf: {  	[dreg:$0x3] =	wrdreg $0x9  }
0xb0: {  	_ =	task.clear_ibuf [dreg:s7], $0x4FFFF;
	_ =	strace $0x90000046  }
0xb1: {  	s29 =	simm.s32 $0x9;
	_ =	strace $0x80000048  }
0xb2: {  	_ =	swait.ge [sflag:s29], $0x1  }
0xb3: {  	[sflag:s29] =	ssyncadd.s32 $0xFFFFFFFF  }
0xb4: {  	_ =	strace $0x90000048  }
0xb5: {  	_ =	sfence  }
0xb6: {  	s30 =	sld [smem:$0x0];
	_ =	sdelay $0x2  }
0xb7: {  	s31 =	sshll.u32 s1, $0xD;
	s1 =	sshrl.u32 s1, $0x2  }
0xb8: {  	s3 =	sand.u32 $0x4000, s31;
	s1 =	sadd.s32 s1, s30  }
0xb9: {  	s0 =	sor.u32 s3, s0;
	s1 =	sshll.u32 s1, $0x11  }
0xba: {  	s0 =	sor.u32 s1, s0  }
0xbb: {  	s0 =	sadd.s32 $0x8F2B, s0  }
0xbc: {  	[sflag:s0] =	ssyncadd.remote.s32 $0x1  }
0xbd: {  	_ =	sfence.sel $0xFFFF  }
0xbe: {  	[dreg:$0x0] =	wrdreg $0xFFFFFFFF;
	(pc) =	sbr.abs _section_cstart, $3  }
0xbf: {  	[dreg:$0x1] =	wrdreg $0xFFFFFFFF  }
0xc0: {  	_ =	task.clear_ibuf [dreg:s7], $0x2FFFF;
	_ =	strace $0x9FFFFFFF  }
0xc1: {  	(tm) =	ssettm $0x7FFFFFFF  }
tec
execute0_lowered:
.L_overlay_start_1:
0x0: {  	(tag) =	ssettag $0x1  }
0x1: {  	s3 =	rddreg [dreg:$0x0];
	s1 =	simm.s32 $0x0  }
0x2: {  	v0 =	vimm.f32 $0.0e+00;
	[smem:$0x7FF] =	sst s1  }
0x3: {  	s0 =	rddreg [dreg:$0x1];
	_ =	strace $0x80000047;
	[tilespmem:$0x0] =	vst v0  }
0x4: {  	[tilespmem:$0x1F0] =	vst v0  }
0x5: {  	[tilespmem:$0x1E0] =	vst v0  }
0x6: {  	[tilespmem:$0x1D0] =	vst v0  }
0x7: {  	[tilespmem:$0x1C0] =	vst v0  }
0x8: {  	[tilespmem:$0x1B0] =	vst v0  }
0x9: {  	[tilespmem:$0x1A0] =	vst v0  }
0xa: {  	[tilespmem:$0x190] =	vst v0  }
0xb: {  	[tilespmem:$0x180] =	vst v0  }
0xc: {  	[tilespmem:$0x170] =	vst v0  }
0xd: {  	[tilespmem:$0x160] =	vst v0  }
0xe: {  	[tilespmem:$0x150] =	vst v0  }
0xf: {  	[tilespmem:$0x140] =	vst v0  }
0x10: {  	[tilespmem:$0x130] =	vst v0  }
0x11: {  	[tilespmem:$0x120] =	vst v0  }
0x12: {  	[tilespmem:$0x110] =	vst v0  }
0x13: {  	[tilespmem:$0x100] =	vst v0  }
0x14: {  	[tilespmem:$0xF0] =	vst v0  }
0x15: {  	[tilespmem:$0xE0] =	vst v0  }
0x16: {  	[tilespmem:$0xD0] =	vst v0  }
0x17: {  	[tilespmem:$0xC0] =	vst v0  }
0x18: {  	[tilespmem:$0xB0] =	vst v0  }
0x19: {  	s2 =	srdreg.scid;
	[tilespmem:$0xA0] =	vst v0  }
0x1a: {  	s4 =	sand.u32 $0x1, s2;
	[tilespmem:$0x90] =	vst v0  }
0x1b: {  	[tilespmem:$0x80] =	vst v0;
	s5 =	ssub.s32 $0x2, s4  }
0x1c: {  	[tilespmem:$0x70] =	vst v0;
	s6 =	sshrl.u32 s5, $0x1  }
0x1d: {  	[tilespmem:$0x60] =	vst v0;
	s5 =	ssub.s32 s5, s6  }
0x1e: {  	[tilespmem:$0x50] =	vst v0;
	s5 =	smax.u32 s5, $0x1  }
0x1f: {  	[tilespmem:$0x40] =	vst v0;
	p0 =	sne.s32 s5, $0x1  }
.Ltmp0:
0x20: {  	s2 =	stileid.u32;
	s4 =	sshll.u32 s4, $0x6;
	[tilespmem:$0x30] =	vst v0;
	(pc) =	sbr.rel @!p0 .LBB2_2-.Ltmp0, $4  }
0x21: {  	s31 =	sshll.u32 s2, $0x7;
	[tilespmem:$0x20] =	vst v0;
	s3 =	sadd.s32 s3, s4  }
0x22: {  	[tilespmem:$0x10] =	vst v0;
	s4 =	simm.s32 $0x1;
	s3 =	sadd.s32 s31, s3  }
0x23: {  	[hbm4b:s3+s1] =	stream.linear.scatter [tilespmem:s1], [sflag:$0x1], $0x200, $0x38;
	[tilespmem:$0x200] =	vst v63  }
0x24: {  	_ =	swait.ge [sflag:s4], $0x200;
	s5 =	sadd.s32 $0xFFFFFFFF, s5  }
.LBB2_1:
0x25: {  	p0 =	sne.s32 s5, $0x1;
	[sflag:s4] =	ssyncset.done $0x0  }
0x26: {  	[sflag:s4] =	ssyncadd.s32 $0xFFFFFE00  }
0x27: {  	[tilespmem:$0x0] =	vst v0  }
0x28: {  	[tilespmem:$0x1F0] =	vst v0  }
0x29: {  	[tilespmem:$0x1E0] =	vst v0  }
0x2a: {  	[tilespmem:$0x1D0] =	vst v0  }
0x2b: {  	[tilespmem:$0x1C0] =	vst v0  }
0x2c: {  	[tilespmem:$0x1B0] =	vst v0  }
0x2d: {  	[tilespmem:$0x1A0] =	vst v0  }
0x2e: {  	[tilespmem:$0x190] =	vst v0  }
0x2f: {  	[tilespmem:$0x180] =	vst v0  }
0x30: {  	[tilespmem:$0x170] =	vst v0  }
0x31: {  	[tilespmem:$0x160] =	vst v0  }
0x32: {  	[tilespmem:$0x150] =	vst v0  }
0x33: {  	[tilespmem:$0x140] =	vst v0  }
0x34: {  	[tilespmem:$0x130] =	vst v0  }
0x35: {  	[tilespmem:$0x120] =	vst v0  }
0x36: {  	[tilespmem:$0x110] =	vst v0  }
0x37: {  	[tilespmem:$0x100] =	vst v0  }
0x38: {  	[tilespmem:$0xF0] =	vst v0  }
0x39: {  	[tilespmem:$0xE0] =	vst v0  }
0x3a: {  	[tilespmem:$0xD0] =	vst v0  }
0x3b: {  	[tilespmem:$0xC0] =	vst v0  }
0x3c: {  	[tilespmem:$0xB0] =	vst v0  }
0x3d: {  	[tilespmem:$0xA0] =	vst v0  }
0x3e: {  	[tilespmem:$0x90] =	vst v0  }
0x3f: {  	[tilespmem:$0x80] =	vst v0  }
0x40: {  	[tilespmem:$0x70] =	vst v0  }
0x41: {  	[tilespmem:$0x60] =	vst v0  }
0x42: {  	[tilespmem:$0x50] =	vst v0  }
.Ltmp1:
0x43: {  	[tilespmem:$0x40] =	vst v0;
	(pc) =	sbr.rel @p0 .LBB2_1-.Ltmp1, $4  }
0x44: {  	[tilespmem:$0x30] =	vst v0  }
0x45: {  	[tilespmem:$0x20] =	vst v0  }
0x46: {  	[tilespmem:$0x10] =	vst v0;
	[hbm4b:s3+s1] =	stream.linear.scatter [tilespmem:s1], [sflag:$0x1], $0x200, $0x38  }
0x47: {  	s5 =	sadd.s32 $0xFFFFFFFF, s5;
	_ =	swait.ge [sflag:s4], $0x200  }
.LBB2_2:
0x48: {  	[sflag:s4] =	ssyncset.done $0x0  }
0x49: {  	[sflag:s4] =	ssyncadd.s32 $0xFFFFFE00  }
0x4a: {  	_ =	sfence.sel $0x180000  }
0x4b: {  	[bflag:$0x0] =	sbarrier.arrive $0xFFFF  }
0x4c: {  	p0 =	sne.s32 s2, $0x0;
	_ =	strace $0x90000047  }
0x4d: {  	s0 =	sadd.s32 @!p0 $0x100000, s0;
	[bflag:$0x2] =	sbarrier.arrive $0xFFFF  }
0x4e: {  	[sflag:s0] =	ssyncadd.tile.s32 @!p0 $0x1;
	_ =	shalt  }
.Lfunc_end2:
_tile_overlayer_lowered:
.L_overlay_start_2:
0x4f: {  	(tag) =	ssettag $0x2  }
0x50: {  	s0 =	rddreg [dreg:$0x0];
	s2 =	stileid.u32  }
0x51: {  	s1 =	rddreg [dreg:$0x1];
	p0 =	sne.s32 s2, $0x0  }
0x52: {  	s3 =	rddreg [dreg:$0x2];
	[bflag:$0x3] =	sbarrier.arrive $0xFFFF;
	s2 =	simm.s32 @!p0 $0x1C01  }
0x53: {  	[timem:s3], [sflag:s2] =	dma.local @!p0 [hbm:s0], s1  }
0x54: {  	s0 =	simm.s32 @!p0 $0x1  }
0x55: {  	_ =	swait.ge @!p0 [sflag:s0], s1  }
0x56: {  	s1 =	ssub.s32 @!p0 $0x0, s1;
	[sflag:s0] =	ssyncset.done @!p0 $0x0  }
0x57: {  	[sflag:s0] =	ssyncadd.s32 @!p0 s1  }
0x58: {  	[bflag:$0x3] =	sbarrier.arrive $0xFFFF  }
0x59: {  	_ =	shalt  }

</sc_bundles>
